<compile_context>
chip_gen: v7x
topology: tpu7x:2x2x1
jax: 0.10.2.dev20260603
libtpu: 0.0.44.dev20260713+nightly
codegen_flags: <defaults>
</compile_context>

<pallas_src>
import functools

import jax
import jax.numpy as jnp
from jax import lax
from jax.experimental import pallas as pl
from jax.experimental.pallas import tpu as pltpu
from jax.experimental.pallas import tpu_sc as plsc

_BATCH = 16384
_D = 64
_NC = 2
_NS = 16
_NW = _NC * _NS
_BPW = _BATCH // _NW
_HLF = _BPW // 2
_BLK = 2048


@functools.partial(
    pl.kernel,
    out_type=[
        jax.ShapeDtypeStruct((_BATCH, 2 * _D), jnp.float32),
        jax.ShapeDtypeStruct((_BATCH, 2 * _D), jnp.float32),
    ],
    mesh=plsc.VectorSubcoreMesh(core_axis_name="c", subcore_axis_name="s"),
    scratch_types=[
        pltpu.VMEM((_BPW,), jnp.int32),
        pltpu.VMEM((_BPW,), jnp.int32),
        pltpu.VMEM((_HLF, 2 * _D), jnp.float32),
        pltpu.VMEM((_HLF, 2 * _D), jnp.float32),
        pltpu.SemaphoreType.DMA,
        pltpu.SemaphoreType.DMA,
    ],
)
def _sc_gather(uidx_hbm, iidx_hbm, uemb_hbm, iemb_hbm, uout_hbm, iout_hbm,
               uidx_v, iidx_v, b0, b1, s0, s1):
    wid = lax.axis_index("s") * _NC + lax.axis_index("c")
    base = wid * _BPW

    pltpu.sync_copy(uidx_hbm.at[pl.ds(base, _BPW)], uidx_v)
    pltpu.sync_copy(iidx_hbm.at[pl.ds(base, _BPW)], iidx_v)
    c0 = pltpu.async_copy(uemb_hbm.at[uidx_v.at[pl.ds(0, _HLF)]], b0, s0)
    c1 = pltpu.async_copy(uemb_hbm.at[uidx_v.at[pl.ds(_HLF, _HLF)]], b1, s1)
    c0.wait()
    pltpu.sync_copy(b0, uout_hbm.at[pl.ds(base, _HLF)])
    c2 = pltpu.async_copy(iemb_hbm.at[iidx_v.at[pl.ds(0, _HLF)]], b0, s0)
    c1.wait()
    pltpu.sync_copy(b1, uout_hbm.at[pl.ds(base + _HLF, _HLF)])
    c3 = pltpu.async_copy(iemb_hbm.at[iidx_v.at[pl.ds(_HLF, _HLF)]], b1, s1)
    c2.wait()
    pltpu.sync_copy(b0, iout_hbm.at[pl.ds(base, _HLF)])
    c3.wait()
    pltpu.sync_copy(b1, iout_hbm.at[pl.ds(base + _HLF, _HLF)])


def _mlp_body(u_ref, i_ref, ub_ref, ib_ref, w1u_ref, w1i_ref, b1_ref,
              w2_ref, b2_ref, w3_ref, b3_ref, out_ref):
    u = jnp.where(ub_ref[...] == 1, u_ref[:, _D:], u_ref[:, :_D])
    i = jnp.where(ib_ref[...] == 1, i_ref[:, _D:], i_ref[:, :_D])
    dot = functools.partial(jnp.dot, preferred_element_type=jnp.float32,
                            precision=lax.Precision.HIGHEST)
    h = dot(u, w1u_ref[...]) + dot(i, w1i_ref[...])
    h = jnp.maximum(h + b1_ref[...], 0.0)
    h = jnp.maximum(dot(h, w2_ref[...]) + b2_ref[...], 0.0)
    s = jnp.sum(h * w3_ref[...], axis=1, keepdims=True) + b3_ref[...]
    out_ref[...] = jax.nn.sigmoid(s)


def _mlp(uo, io, ub, ib, w1u, w1i, b1, w2, b2, w3, b3):
    return pl.pallas_call(
        _mlp_body,
        grid=(_BATCH // _BLK,),
        in_specs=[
            pl.BlockSpec((_BLK, 2 * _D), lambda b: (b, 0)),
            pl.BlockSpec((_BLK, 2 * _D), lambda b: (b, 0)),
            pl.BlockSpec((_BLK, 1), lambda b: (b, 0)),
            pl.BlockSpec((_BLK, 1), lambda b: (b, 0)),
            pl.BlockSpec((_D, 128), lambda b: (0, 0)),
            pl.BlockSpec((_D, 128), lambda b: (0, 0)),
            pl.BlockSpec((1, 128), lambda b: (0, 0)),
            pl.BlockSpec((128, _D), lambda b: (0, 0)),
            pl.BlockSpec((1, _D), lambda b: (0, 0)),
            pl.BlockSpec((1, _D), lambda b: (0, 0)),
            pl.BlockSpec((1, 1), lambda b: (0, 0)),
        ],
        out_specs=pl.BlockSpec((_BLK, 1), lambda b: (b, 0)),
        out_shape=jax.ShapeDtypeStruct((_BATCH, 1), jnp.float32),
    )(uo, io, ub, ib, w1u, w1i, b1, w2, b2, w3, b3)


def kernel(user_index, item_index, user_emb, item_emb, W1, b1, W2, b2, W3, b3):
    uidx = user_index.astype(jnp.int32)
    iidx = item_index.astype(jnp.int32)
    uo, io = _sc_gather(uidx >> 1, iidx >> 1,
                        user_emb.reshape(-1, 2 * _D),
                        item_emb.reshape(-1, 2 * _D))
    ub = (uidx & 1).reshape(_BATCH, 1)
    ib = (iidx & 1).reshape(_BATCH, 1)
    out2d = _mlp(uo, io, ub, ib,
                 W1[:, :_D].T, W1[:, _D:].T, b1.reshape(1, 128),
                 W2.T, b2.reshape(1, _D), W3.reshape(1, _D),
                 b3.reshape(1, 1))
    return out2d.reshape(_BATCH)

# --- scband reference (transcript-rebuilt; emitter-appended) ---
"""Pipeline reference for scband-model-43439299232191 (READ-ONLY COPY).

The authoritative reference and input builder live on the scoring server;
editing this copy changes nothing except your own understanding.
"""

import jax, jax.numpy as jnp
import numpy as np

USERS = 1000000
ITEMS = 100000
EMBED_DIM = 64
BATCH = 16384


def setup_inputs(seed: int = 0) -> dict:
    key = jax.random.key(seed)
    ks = jax.random.split(key, 12)
    user_index = jax.random.randint(ks[0], (BATCH,), 0, USERS, dtype=jnp.int64 if jax.config.jax_enable_x64 else jnp.int32)
    item_index = jax.random.randint(ks[1], (BATCH,), 0, ITEMS, dtype=jnp.int64 if jax.config.jax_enable_x64 else jnp.int32)
    user_emb = jax.random.normal(ks[2], (USERS, EMBED_DIM), dtype=jnp.float32) * 0.02
    item_emb = jax.random.normal(ks[3], (ITEMS, EMBED_DIM), dtype=jnp.float32) * 0.02
    W1 = jax.random.normal(ks[4], (128, EMBED_DIM * 2), dtype=jnp.float32) * (1.0 / np.sqrt(EMBED_DIM * 2))
    b1 = jnp.zeros((128,), dtype=jnp.float32)
    W2 = jax.random.normal(ks[5], (64, 128), dtype=jnp.float32) * (1.0 / np.sqrt(128))
    b2 = jnp.zeros((64,), dtype=jnp.float32)
    W3 = jax.random.normal(ks[6], (1, 64), dtype=jnp.float32) * (1.0 / np.sqrt(64))
    b3 = jnp.zeros((1,), dtype=jnp.float32)
    return {"user_index": user_index, "item_index": item_index,
            "user_emb": user_emb, "item_emb": item_emb,
            "W1": W1, "b1": b1, "W2": W2, "b2": b2, "W3": W3, "b3": b3}


def reference(user_index, item_index, user_emb, item_emb, W1, b1, W2, b2, W3, b3):
    # embedding lookups (gather)
    user_vector = jnp.take(user_emb, user_index, axis=0)
    item_vector = jnp.take(item_emb, item_index, axis=0)
    vector = jnp.concatenate([user_vector, item_vector], axis=1)
    # MLP (dropout inactive at inference)
    h = jax.nn.relu(vector @ W1.T + b1)
    h = jax.nn.relu(h @ W2.T + b2)
    score = jax.nn.sigmoid(h @ W3.T + b3)
    return jnp.squeeze(score, axis=-1)

if __name__ == "__main__":
    import jax
    _d = setup_inputs()
    print(jax.jit(kernel)(*tuple(_d.values())))

</pallas_src>

<mosaic_0001>
#map = affine_map<(d0, d1) -> (0)>
#map1 = affine_map<(d0, d1) -> (0, 0)>
module attributes {stable_mosaic.version = 14 : i64} {
  func.func @_sc_gather(%arg0: i32, %arg1: i32, %arg2: memref<16384xi32, #tpu.memory_space<hbm>>, %arg3: memref<16384xi32, #tpu.memory_space<hbm>>, %arg4: memref<500000x128xf32, #tpu.memory_space<hbm>>, %arg5: memref<50000x128xf32, #tpu.memory_space<hbm>>, %arg6: memref<16384x128xf32, #tpu.memory_space<hbm>>, %arg7: memref<16384x128xf32, #tpu.memory_space<hbm>>, %arg8: memref<512xi32, #tpu.memory_space<vmem>>, %arg9: memref<512xi32, #tpu.memory_space<vmem>>, %arg10: memref<256x128xf32, #tpu.memory_space<vmem>>, %arg11: memref<256x128xf32, #tpu.memory_space<vmem>>, %arg12: memref<!tpu.dma_semaphore, #tpu.memory_space<semaphore_mem>>, %arg13: memref<!tpu.dma_semaphore, #tpu.memory_space<semaphore_mem>>) attributes {dimension_semantics = [#tpu.dimension_semantics<core_parallel>, #tpu.dimension_semantics<subcore_parallel>], iteration_bounds = array<i64: 2, 16>, scalar_prefetch = 0 : i64, scratch_operands = 6 : i64, tpu.core_type = #tpu.core_type<sc_vector_subcore>, window_params = [{transform_indices = #map}, {transform_indices = #map}, {transform_indices = #map1}, {transform_indices = #map1}, {transform_indices = #map1}, {transform_indices = #map1}]} {
    %mul3A = arith.constant 2 : i32
    %mul3A_0 = arith.muli %arg1, %mul3A : i32
    %add3A = arith.addi %mul3A_0, %arg0 : i32
    %mul3A_1 = arith.constant 512 : i32
    %mul3A_2 = arith.muli %add3A, %mul3A_1 : i32
    "tpu.region"() ({
      %run_scoped3A = tpu.sem_alloc : memref<!tpu.dma_semaphore, #tpu.memory_space<semaphore_mem>>
      %dma_start3A_45 = tpu.memref_slice %arg2[%mul3A_2] : memref<16384xi32, #tpu.memory_space<hbm>> -> memref<512xi32, #tpu.memory_space<hbm>>
      %dma_start3A_46 = tpu.memref_slice %arg2[%mul3A_2] : memref<16384xi32, #tpu.memory_space<hbm>> -> memref<512xi32, #tpu.memory_space<hbm>>
      tpu.enqueue_dma source(%dma_start3A_46 : memref<512xi32, #tpu.memory_space<hbm>>) target(%arg8 : memref<512xi32, #tpu.memory_space<vmem>>) target_semaphore(%run_scoped3A : memref<!tpu.dma_semaphore, #tpu.memory_space<semaphore_mem>>)
      %dma_wait3A_47 = tpu.memref_slice %arg2[%mul3A_2] : memref<16384xi32, #tpu.memory_space<hbm>> -> memref<512xi32, #tpu.memory_space<hbm>>
      %dma_wait3A_48 = tpu.memref_slice %arg2[%mul3A_2] : memref<16384xi32, #tpu.memory_space<hbm>> -> memref<512xi32, #tpu.memory_space<hbm>>
      tpu.wait_dma2 semaphore(%run_scoped3A : memref<!tpu.dma_semaphore, #tpu.memory_space<semaphore_mem>>) src(%dma_wait3A_48 : memref<512xi32, #tpu.memory_space<hbm>>) dst(%arg8 : memref<512xi32, #tpu.memory_space<vmem>>)
      tpu.yield
    }) : () -> ()
    "tpu.region"() ({
      %run_scoped3A = tpu.sem_alloc : memref<!tpu.dma_semaphore, #tpu.memory_space<semaphore_mem>>
      %dma_start3A_45 = tpu.memref_slice %arg3[%mul3A_2] : memref<16384xi32, #tpu.memory_space<hbm>> -> memref<512xi32, #tpu.memory_space<hbm>>
      %dma_start3A_46 = tpu.memref_slice %arg3[%mul3A_2] : memref<16384xi32, #tpu.memory_space<hbm>> -> memref<512xi32, #tpu.memory_space<hbm>>
      tpu.enqueue_dma source(%dma_start3A_46 : memref<512xi32, #tpu.memory_space<hbm>>) target(%arg9 : memref<512xi32, #tpu.memory_space<vmem>>) target_semaphore(%run_scoped3A : memref<!tpu.dma_semaphore, #tpu.memory_space<semaphore_mem>>)
      %dma_wait3A_47 = tpu.memref_slice %arg3[%mul3A_2] : memref<16384xi32, #tpu.memory_space<hbm>> -> memref<512xi32, #tpu.memory_space<hbm>>
      %dma_wait3A_48 = tpu.memref_slice %arg3[%mul3A_2] : memref<16384xi32, #tpu.memory_space<hbm>> -> memref<512xi32, #tpu.memory_space<hbm>>
      tpu.wait_dma2 semaphore(%run_scoped3A : memref<!tpu.dma_semaphore, #tpu.memory_space<semaphore_mem>>) src(%dma_wait3A_48 : memref<512xi32, #tpu.memory_space<hbm>>) dst(%arg9 : memref<512xi32, #tpu.memory_space<vmem>>)
      tpu.yield
    }) : () -> ()
    %dma_start3A = arith.constant 0 : i32
    %dma_start3A_3 = tpu.memref_slice %arg8[%dma_start3A] : memref<512xi32, #tpu.memory_space<vmem>> -> memref<256xi32, #tpu.memory_space<vmem>>
    %dma_start3A_4 = arith.constant 0 : i32
    %dma_start3A_5 = arith.constant 0 : i32
    %dma_start3A_6 = tpu.memref_slice %arg4[%dma_start3A_4, %dma_start3A_5] : memref<500000x128xf32, #tpu.memory_space<hbm>> -> memref<500000x128xf32, #tpu.memory_space<hbm>>
    tpu.enqueue_indirect_dma source(%dma_start3A_6 : memref<500000x128xf32, #tpu.memory_space<hbm>>) target(%arg10 : memref<256x128xf32, #tpu.memory_space<vmem>>) offsets(%dma_start3A_3 : memref<256xi32, #tpu.memory_space<vmem>>) semaphore(%arg12 : memref<!tpu.dma_semaphore, #tpu.memory_space<semaphore_mem>>)
    %dma_start3A_7 = arith.constant 256 : i32
    %dma_start3A_8 = tpu.memref_slice %arg8[%dma_start3A_7] : memref<512xi32, #tpu.memory_space<vmem>> -> memref<256xi32, #tpu.memory_space<vmem>>
    %dma_start3A_9 = arith.constant 0 : i32
    %dma_start3A_10 = arith.constant 0 : i32
    %dma_start3A_11 = tpu.memref_slice %arg4[%dma_start3A_9, %dma_start3A_10] : memref<500000x128xf32, #tpu.memory_space<hbm>> -> memref<500000x128xf32, #tpu.memory_space<hbm>>
    tpu.enqueue_indirect_dma source(%dma_start3A_11 : memref<500000x128xf32, #tpu.memory_space<hbm>>) target(%arg11 : memref<256x128xf32, #tpu.memory_space<vmem>>) offsets(%dma_start3A_8 : memref<256xi32, #tpu.memory_space<vmem>>) semaphore(%arg13 : memref<!tpu.dma_semaphore, #tpu.memory_space<semaphore_mem>>)
    %dma_wait3A = arith.constant 0 : i32
    %dma_wait3A_12 = tpu.memref_slice %arg8[%dma_wait3A] : memref<512xi32, #tpu.memory_space<vmem>> -> memref<256xi32, #tpu.memory_space<vmem>>
    %dma_wait3A_13 = arith.constant 0 : i32
    %dma_wait3A_14 = arith.constant 0 : i32
    %dma_wait3A_15 = tpu.memref_slice %arg4[%dma_wait3A_13, %dma_wait3A_14] : memref<500000x128xf32, #tpu.memory_space<hbm>> -> memref<500000x128xf32, #tpu.memory_space<hbm>>
    tpu.wait_indirect_dma semaphore(%arg12 : memref<!tpu.dma_semaphore, #tpu.memory_space<semaphore_mem>>) src(%dma_wait3A_15 : memref<500000x128xf32, #tpu.memory_space<hbm>>) dst(%arg10 : memref<256x128xf32, #tpu.memory_space<vmem>>)
    "tpu.region"() ({
      %run_scoped3A = tpu.sem_alloc : memref<!tpu.dma_semaphore, #tpu.memory_space<semaphore_mem>>
      %dma_start3A_45 = arith.constant 0 : i32
      %dma_start3A_46 = tpu.memref_slice %arg6[%mul3A_2, %dma_start3A_45] : memref<16384x128xf32, #tpu.memory_space<hbm>> -> memref<256x128xf32, #tpu.memory_space<hbm>>
      %dma_start3A_47 = arith.constant 0 : i32
      %dma_start3A_48 = tpu.memref_slice %arg6[%mul3A_2, %dma_start3A_47] : memref<16384x128xf32, #tpu.memory_space<hbm>> -> memref<256x128xf32, #tpu.memory_space<hbm>>
      tpu.enqueue_dma source(%arg10 : memref<256x128xf32, #tpu.memory_space<vmem>>) target(%dma_start3A_48 : memref<256x128xf32, #tpu.memory_space<hbm>>) target_semaphore(%run_scoped3A : memref<!tpu.dma_semaphore, #tpu.memory_space<semaphore_mem>>)
      %dma_wait3A_49 = arith.constant 0 : i32
      %dma_wait3A_50 = tpu.memref_slice %arg6[%mul3A_2, %dma_wait3A_49] : memref<16384x128xf32, #tpu.memory_space<hbm>> -> memref<256x128xf32, #tpu.memory_space<hbm>>
      %dma_wait3A_51 = arith.constant 0 : i32
      %dma_wait3A_52 = tpu.memref_slice %arg6[%mul3A_2, %dma_wait3A_51] : memref<16384x128xf32, #tpu.memory_space<hbm>> -> memref<256x128xf32, #tpu.memory_space<hbm>>
      tpu.wait_dma2 semaphore(%run_scoped3A : memref<!tpu.dma_semaphore, #tpu.memory_space<semaphore_mem>>) src(%arg10 : memref<256x128xf32, #tpu.memory_space<vmem>>) dst(%dma_wait3A_52 : memref<256x128xf32, #tpu.memory_space<hbm>>)
      tpu.yield
    }) : () -> ()
    %dma_start3A_16 = arith.constant 0 : i32
    %dma_start3A_17 = tpu.memref_slice %arg9[%dma_start3A_16] : memref<512xi32, #tpu.memory_space<vmem>> -> memref<256xi32, #tpu.memory_space<vmem>>
    %dma_start3A_18 = arith.constant 0 : i32
    %dma_start3A_19 = arith.constant 0 : i32
    %dma_start3A_20 = tpu.memref_slice %arg5[%dma_start3A_18, %dma_start3A_19] : memref<50000x128xf32, #tpu.memory_space<hbm>> -> memref<50000x128xf32, #tpu.memory_space<hbm>>
    tpu.enqueue_indirect_dma source(%dma_start3A_20 : memref<50000x128xf32, #tpu.memory_space<hbm>>) target(%arg10 : memref<256x128xf32, #tpu.memory_space<vmem>>) offsets(%dma_start3A_17 : memref<256xi32, #tpu.memory_space<vmem>>) semaphore(%arg12 : memref<!tpu.dma_semaphore, #tpu.memory_space<semaphore_mem>>)
    %dma_wait3A_21 = arith.constant 256 : i32
    %dma_wait3A_22 = tpu.memref_slice %arg8[%dma_wait3A_21] : memref<512xi32, #tpu.memory_space<vmem>> -> memref<256xi32, #tpu.memory_space<vmem>>
    %dma_wait3A_23 = arith.constant 0 : i32
    %dma_wait3A_24 = arith.constant 0 : i32
    %dma_wait3A_25 = tpu.memref_slice %arg4[%dma_wait3A_23, %dma_wait3A_24] : memref<500000x128xf32, #tpu.memory_space<hbm>> -> memref<500000x128xf32, #tpu.memory_space<hbm>>
    tpu.wait_indirect_dma semaphore(%arg13 : memref<!tpu.dma_semaphore, #tpu.memory_space<semaphore_mem>>) src(%dma_wait3A_25 : memref<500000x128xf32, #tpu.memory_space<hbm>>) dst(%arg11 : memref<256x128xf32, #tpu.memory_space<vmem>>)
    %add3A_26 = arith.constant 256 : i32
    %add3A_27 = arith.addi %mul3A_2, %add3A_26 : i32
    "tpu.region"() ({
      %run_scoped3A = tpu.sem_alloc : memref<!tpu.dma_semaphore, #tpu.memory_space<semaphore_mem>>
      %dma_start3A_45 = arith.constant 0 : i32
      %dma_start3A_46 = tpu.memref_slice %arg6[%add3A_27, %dma_start3A_45] : memref<16384x128xf32, #tpu.memory_space<hbm>> -> memref<256x128xf32, #tpu.memory_space<hbm>>
      %dma_start3A_47 = arith.constant 0 : i32
      %dma_start3A_48 = tpu.memref_slice %arg6[%add3A_27, %dma_start3A_47] : memref<16384x128xf32, #tpu.memory_space<hbm>> -> memref<256x128xf32, #tpu.memory_space<hbm>>
      tpu.enqueue_dma source(%arg11 : memref<256x128xf32, #tpu.memory_space<vmem>>) target(%dma_start3A_48 : memref<256x128xf32, #tpu.memory_space<hbm>>) target_semaphore(%run_scoped3A : memref<!tpu.dma_semaphore, #tpu.memory_space<semaphore_mem>>)
      %dma_wait3A_49 = arith.constant 0 : i32
      %dma_wait3A_50 = tpu.memref_slice %arg6[%add3A_27, %dma_wait3A_49] : memref<16384x128xf32, #tpu.memory_space<hbm>> -> memref<256x128xf32, #tpu.memory_space<hbm>>
      %dma_wait3A_51 = arith.constant 0 : i32
      %dma_wait3A_52 = tpu.memref_slice %arg6[%add3A_27, %dma_wait3A_51] : memref<16384x128xf32, #tpu.memory_space<hbm>> -> memref<256x128xf32, #tpu.memory_space<hbm>>
      tpu.wait_dma2 semaphore(%run_scoped3A : memref<!tpu.dma_semaphore, #tpu.memory_space<semaphore_mem>>) src(%arg11 : memref<256x128xf32, #tpu.memory_space<vmem>>) dst(%dma_wait3A_52 : memref<256x128xf32, #tpu.memory_space<hbm>>)
      tpu.yield
    }) : () -> ()
    %dma_start3A_28 = arith.constant 256 : i32
    %dma_start3A_29 = tpu.memref_slice %arg9[%dma_start3A_28] : memref<512xi32, #tpu.memory_space<vmem>> -> memref<256xi32, #tpu.memory_space<vmem>>
    %dma_start3A_30 = arith.constant 0 : i32
    %dma_start3A_31 = arith.constant 0 : i32
    %dma_start3A_32 = tpu.memref_slice %arg5[%dma_start3A_30, %dma_start3A_31] : memref<50000x128xf32, #tpu.memory_space<hbm>> -> memref<50000x128xf32, #tpu.memory_space<hbm>>
    tpu.enqueue_indirect_dma source(%dma_start3A_32 : memref<50000x128xf32, #tpu.memory_space<hbm>>) target(%arg11 : memref<256x128xf32, #tpu.memory_space<vmem>>) offsets(%dma_start3A_29 : memref<256xi32, #tpu.memory_space<vmem>>) semaphore(%arg13 : memref<!tpu.dma_semaphore, #tpu.memory_space<semaphore_mem>>)
    %dma_wait3A_33 = arith.constant 0 : i32
    %dma_wait3A_34 = tpu.memref_slice %arg9[%dma_wait3A_33] : memref<512xi32, #tpu.memory_space<vmem>> -> memref<256xi32, #tpu.memory_space<vmem>>
    %dma_wait3A_35 = arith.constant 0 : i32
    %dma_wait3A_36 = arith.constant 0 : i32
    %dma_wait3A_37 = tpu.memref_slice %arg5[%dma_wait3A_35, %dma_wait3A_36] : memref<50000x128xf32, #tpu.memory_space<hbm>> -> memref<50000x128xf32, #tpu.memory_space<hbm>>
    tpu.wait_indirect_dma semaphore(%arg12 : memref<!tpu.dma_semaphore, #tpu.memory_space<semaphore_mem>>) src(%dma_wait3A_37 : memref<50000x128xf32, #tpu.memory_space<hbm>>) dst(%arg10 : memref<256x128xf32, #tpu.memory_space<vmem>>)
    "tpu.region"() ({
      %run_scoped3A = tpu.sem_alloc : memref<!tpu.dma_semaphore, #tpu.memory_space<semaphore_mem>>
      %dma_start3A_45 = arith.constant 0 : i32
      %dma_start3A_46 = tpu.memref_slice %arg7[%mul3A_2, %dma_start3A_45] : memref<16384x128xf32, #tpu.memory_space<hbm>> -> memref<256x128xf32, #tpu.memory_space<hbm>>
      %dma_start3A_47 = arith.constant 0 : i32
      %dma_start3A_48 = tpu.memref_slice %arg7[%mul3A_2, %dma_start3A_47] : memref<16384x128xf32, #tpu.memory_space<hbm>> -> memref<256x128xf32, #tpu.memory_space<hbm>>
      tpu.enqueue_dma source(%arg10 : memref<256x128xf32, #tpu.memory_space<vmem>>) target(%dma_start3A_48 : memref<256x128xf32, #tpu.memory_space<hbm>>) target_semaphore(%run_scoped3A : memref<!tpu.dma_semaphore, #tpu.memory_space<semaphore_mem>>)
      %dma_wait3A_49 = arith.constant 0 : i32
      %dma_wait3A_50 = tpu.memref_slice %arg7[%mul3A_2, %dma_wait3A_49] : memref<16384x128xf32, #tpu.memory_space<hbm>> -> memref<256x128xf32, #tpu.memory_space<hbm>>
      %dma_wait3A_51 = arith.constant 0 : i32
      %dma_wait3A_52 = tpu.memref_slice %arg7[%mul3A_2, %dma_wait3A_51] : memref<16384x128xf32, #tpu.memory_space<hbm>> -> memref<256x128xf32, #tpu.memory_space<hbm>>
      tpu.wait_dma2 semaphore(%run_scoped3A : memref<!tpu.dma_semaphore, #tpu.memory_space<semaphore_mem>>) src(%arg10 : memref<256x128xf32, #tpu.memory_space<vmem>>) dst(%dma_wait3A_52 : memref<256x128xf32, #tpu.memory_space<hbm>>)
      tpu.yield
    }) : () -> ()
    %dma_wait3A_38 = arith.constant 256 : i32
    %dma_wait3A_39 = tpu.memref_slice %arg9[%dma_wait3A_38] : memref<512xi32, #tpu.memory_space<vmem>> -> memref<256xi32, #tpu.memory_space<vmem>>
    %dma_wait3A_40 = arith.constant 0 : i32
    %dma_wait3A_41 = arith.constant 0 : i32
    %dma_wait3A_42 = tpu.memref_slice %arg5[%dma_wait3A_40, %dma_wait3A_41] : memref<50000x128xf32, #tpu.memory_space<hbm>> -> memref<50000x128xf32, #tpu.memory_space<hbm>>
    tpu.wait_indirect_dma semaphore(%arg13 : memref<!tpu.dma_semaphore, #tpu.memory_space<semaphore_mem>>) src(%dma_wait3A_42 : memref<50000x128xf32, #tpu.memory_space<hbm>>) dst(%arg11 : memref<256x128xf32, #tpu.memory_space<vmem>>)
    %add3A_43 = arith.constant 256 : i32
    %add3A_44 = arith.addi %mul3A_2, %add3A_43 : i32
    "tpu.region"() ({
      %run_scoped3A = tpu.sem_alloc : memref<!tpu.dma_semaphore, #tpu.memory_space<semaphore_mem>>
      %dma_start3A_45 = arith.constant 0 : i32
      %dma_start3A_46 = tpu.memref_slice %arg7[%add3A_44, %dma_start3A_45] : memref<16384x128xf32, #tpu.memory_space<hbm>> -> memref<256x128xf32, #tpu.memory_space<hbm>>
      %dma_start3A_47 = arith.constant 0 : i32
      %dma_start3A_48 = tpu.memref_slice %arg7[%add3A_44, %dma_start3A_47] : memref<16384x128xf32, #tpu.memory_space<hbm>> -> memref<256x128xf32, #tpu.memory_space<hbm>>
      tpu.enqueue_dma source(%arg11 : memref<256x128xf32, #tpu.memory_space<vmem>>) target(%dma_start3A_48 : memref<256x128xf32, #tpu.memory_space<hbm>>) target_semaphore(%run_scoped3A : memref<!tpu.dma_semaphore, #tpu.memory_space<semaphore_mem>>)
      %dma_wait3A_49 = arith.constant 0 : i32
      %dma_wait3A_50 = tpu.memref_slice %arg7[%add3A_44, %dma_wait3A_49] : memref<16384x128xf32, #tpu.memory_space<hbm>> -> memref<256x128xf32, #tpu.memory_space<hbm>>
      %dma_wait3A_51 = arith.constant 0 : i32
      %dma_wait3A_52 = tpu.memref_slice %arg7[%add3A_44, %dma_wait3A_51] : memref<16384x128xf32, #tpu.memory_space<hbm>> -> memref<256x128xf32, #tpu.memory_space<hbm>>
      tpu.wait_dma2 semaphore(%run_scoped3A : memref<!tpu.dma_semaphore, #tpu.memory_space<semaphore_mem>>) src(%arg11 : memref<256x128xf32, #tpu.memory_space<vmem>>) dst(%dma_wait3A_52 : memref<256x128xf32, #tpu.memory_space<hbm>>)
      tpu.yield
    }) : () -> ()
    return
  }
}

module attributes {stable_mosaic.version = 14 : i64} {
  func.func @_mlp_body(%arg0: i32, %arg1: memref<2048x128xf32, #tpu.memory_space<vmem>>, %arg2: memref<2048x128xf32, #tpu.memory_space<vmem>>, %arg3: memref<2048x1xi32, #tpu.memory_space<vmem>>, %arg4: memref<2048x1xi32, #tpu.memory_space<vmem>>, %arg5: memref<64x128xf32, #tpu.memory_space<vmem>>, %arg6: memref<64x128xf32, #tpu.memory_space<vmem>>, %arg7: memref<1x128xf32, #tpu.memory_space<vmem>>, %arg8: memref<128x64xf32, #tpu.memory_space<vmem>>, %arg9: memref<1x64xf32, #tpu.memory_space<vmem>>, %arg10: memref<1x64xf32, #tpu.memory_space<vmem>>, %arg11: memref<1x1xf32, #tpu.memory_space<vmem>>, %arg12: memref<2048x1xf32, #tpu.memory_space<vmem>>) attributes {dimension_semantics = [#tpu.dimension_semantics<arbitrary>], iteration_bounds = array<i64: 8>, scalar_prefetch = 0 : i64, scratch_operands = 0 : i64, tpu.core_type = #tpu.core_type<tc>, window_params = [{transform_indices = @transform_0, window_bounds = array<i64: 2048, 128>}, {transform_indices = @transform_1, window_bounds = array<i64: 2048, 128>}, {transform_indices = @transform_2, window_bounds = array<i64: 2048, 1>}, {transform_indices = @transform_3, window_bounds = array<i64: 2048, 1>}, {pipeline_mode = #tpu.pipeline_mode<synchronous>, transform_indices = @transform_4, window_bounds = array<i64: 64, 128>}, {pipeline_mode = #tpu.pipeline_mode<synchronous>, transform_indices = @transform_5, window_bounds = array<i64: 64, 128>}, {pipeline_mode = #tpu.pipeline_mode<synchronous>, transform_indices = @transform_6, window_bounds = array<i64: 1, 128>}, {pipeline_mode = #tpu.pipeline_mode<synchronous>, transform_indices = @transform_7, window_bounds = array<i64: 128, 64>}, {pipeline_mode = #tpu.pipeline_mode<synchronous>, transform_indices = @transform_8, window_bounds = array<i64: 1, 64>}, {pipeline_mode = #tpu.pipeline_mode<synchronous>, transform_indices = @transform_9, window_bounds = array<i64: 1, 64>}, {pipeline_mode = #tpu.pipeline_mode<synchronous>, transform_indices = @transform_10, window_bounds = array<i64: 1, 1>}, {transform_indices = @transform_11, window_bounds = array<i64: 2048, 1>}]} {
    %get3A = arith.constant 0 : index
    %get3A_0 = arith.constant 0 : index
    %get3A_1 = vector.load %arg3[%get3A, %get3A_0] : memref<2048x1xi32, #tpu.memory_space<vmem>>, vector<2048x1xi32>
    %eq3A = arith.constant 1 : i32
    %eq3A_2 = vector.broadcast %eq3A : i32 to vector<2048x1xi32>
    %eq3A_3 = arith.cmpi eq, %get3A_1, %eq3A_2 : vector<2048x1xi32>
    %get3A_4 = arith.constant 0 : index
    %get3A_5 = arith.constant 64 : index
    %get3A_6 = vector.load %arg1[%get3A_4, %get3A_5] : memref<2048x128xf32, #tpu.memory_space<vmem>>, vector<2048x64xf32>
    %get3A_7 = arith.constant 0 : index
    %get3A_8 = arith.constant 0 : index
    %get3A_9 = vector.load %arg1[%get3A_7, %get3A_8] : memref<2048x128xf32, #tpu.memory_space<vmem>>, vector<2048x64xf32>
    %broadcast_in_dim3A = vector.shape_cast %eq3A_3 : vector<2048x1xi1> to vector<2048x1xi1>
    %broadcast_in_dim3A_10 = vector.broadcast %broadcast_in_dim3A : vector<2048x1xi1> to vector<2048x64xi1>
    %select_n3A = arith.select %broadcast_in_dim3A_10, %get3A_6, %get3A_9 : vector<2048x64xi1>, vector<2048x64xf32>
    %get3A_11 = arith.constant 0 : index
    %get3A_12 = arith.constant 0 : index
    %get3A_13 = vector.load %arg4[%get3A_11, %get3A_12] : memref<2048x1xi32, #tpu.memory_space<vmem>>, vector<2048x1xi32>
    %eq3A_14 = arith.constant 1 : i32
    %eq3A_15 = vector.broadcast %eq3A_14 : i32 to vector<2048x1xi32>
    %eq3A_16 = arith.cmpi eq, %get3A_13, %eq3A_15 : vector<2048x1xi32>
    %get3A_17 = arith.constant 0 : index
    %get3A_18 = arith.constant 64 : index
    %get3A_19 = vector.load %arg2[%get3A_17, %get3A_18] : memref<2048x128xf32, #tpu.memory_space<vmem>>, vector<2048x64xf32>
    %get3A_20 = arith.constant 0 : index
    %get3A_21 = arith.constant 0 : index
    %get3A_22 = vector.load %arg2[%get3A_20, %get3A_21] : memref<2048x128xf32, #tpu.memory_space<vmem>>, vector<2048x64xf32>
    %broadcast_in_dim3A_23 = vector.shape_cast %eq3A_16 : vector<2048x1xi1> to vector<2048x1xi1>
    %broadcast_in_dim3A_24 = vector.broadcast %broadcast_in_dim3A_23 : vector<2048x1xi1> to vector<2048x64xi1>
    %select_n3A_25 = arith.select %broadcast_in_dim3A_24, %get3A_19, %get3A_22 : vector<2048x64xi1>, vector<2048x64xf32>
    %get3A_26 = arith.constant 0 : index
    %get3A_27 = arith.constant 0 : index
    %get3A_28 = vector.load %arg5[%get3A_26, %get3A_27] : memref<64x128xf32, #tpu.memory_space<vmem>>, vector<64x128xf32>
    %dot_general3A = arith.constant dense<0.000000e+00> : vector<2048x128xf32>
    %dot_general3A_29 = tpu.matmul %select_n3A, %get3A_28, %dot_general3A {dimension_numbers = #tpu.dot_dimension_numbers<[1], [0], [0], [1], [0, 0, 1, 1], [], []>, precision = #tpu.contract_precision<fp32>, transpose_lhs_hint = false} : vector<2048x64xf32>, vector<64x128xf32>, vector<2048x128xf32> -> vector<2048x128xf32>
    %get3A_30 = arith.constant 0 : index
    %get3A_31 = arith.constant 0 : index
    %get3A_32 = vector.load %arg6[%get3A_30, %get3A_31] : memref<64x128xf32, #tpu.memory_space<vmem>>, vector<64x128xf32>
    %dot_general3A_33 = arith.constant dense<0.000000e+00> : vector<2048x128xf32>
    %dot_general3A_34 = tpu.matmul %select_n3A_25, %get3A_32, %dot_general3A_33 {dimension_numbers = #tpu.dot_dimension_numbers<[1], [0], [0], [1], [0, 0, 1, 1], [], []>, precision = #tpu.contract_precision<fp32>, transpose_lhs_hint = false} : vector<2048x64xf32>, vector<64x128xf32>, vector<2048x128xf32> -> vector<2048x128xf32>
    %add3A = arith.addf %dot_general3A_29, %dot_general3A_34 : vector<2048x128xf32>
    %get3A_35 = arith.constant 0 : index
    %get3A_36 = arith.constant 0 : index
    %get3A_37 = vector.load %arg7[%get3A_35, %get3A_36] : memref<1x128xf32, #tpu.memory_space<vmem>>, vector<1x128xf32>
    %add3A_38 = vector.broadcast %get3A_37 : vector<1x128xf32> to vector<2048x128xf32>
    %add3A_39 = arith.addf %add3A, %add3A_38 : vector<2048x128xf32>
    %max3A = arith.constant 0.000000e+00 : f32
    %max3A_40 = vector.broadcast %max3A : f32 to vector<2048x128xf32>
    %max3A_41 = arith.maximumf %add3A_39, %max3A_40 : vector<2048x128xf32>
    %get3A_42 = arith.constant 0 : index
    %get3A_43 = arith.constant 0 : index
    %get3A_44 = vector.load %arg8[%get3A_42, %get3A_43] : memref<128x64xf32, #tpu.memory_space<vmem>>, vector<128x64xf32>
    %dot_general3A_45 = arith.constant dense<0.000000e+00> : vector<2048x64xf32>
    %dot_general3A_46 = tpu.matmul %max3A_41, %get3A_44, %dot_general3A_45 {dimension_numbers = #tpu.dot_dimension_numbers<[1], [0], [0], [1], [0, 0, 1, 1], [], []>, precision = #tpu.contract_precision<fp32>, transpose_lhs_hint = false} : vector<2048x128xf32>, vector<128x64xf32>, vector<2048x64xf32> -> vector<2048x64xf32>
    %get3A_47 = arith.constant 0 : index
    %get3A_48 = arith.constant 0 : index
    %get3A_49 = vector.load %arg9[%get3A_47, %get3A_48] : memref<1x64xf32, #tpu.memory_space<vmem>>, vector<1x64xf32>
    %add3A_50 = vector.broadcast %get3A_49 : vector<1x64xf32> to vector<2048x64xf32>
    %add3A_51 = arith.addf %dot_general3A_46, %add3A_50 : vector<2048x64xf32>
    %max3A_52 = arith.constant 0.000000e+00 : f32
    %max3A_53 = vector.broadcast %max3A_52 : f32 to vector<2048x64xf32>
    %max3A_54 = arith.maximumf %add3A_51, %max3A_53 : vector<2048x64xf32>
    %get3A_55 = arith.constant 0 : index
    %get3A_56 = arith.constant 0 : index
    %get3A_57 = vector.load %arg10[%get3A_55, %get3A_56] : memref<1x64xf32, #tpu.memory_space<vmem>>, vector<1x64xf32>
    %mul3A = vector.broadcast %get3A_57 : vector<1x64xf32> to vector<2048x64xf32>
    %mul3A_58 = arith.mulf %max3A_54, %mul3A : vector<2048x64xf32>
    %reduce_sum3A = arith.constant dense<0.000000e+00> : vector<2048xf32>
    %reduce_sum3A_59 = vector.multi_reduction <add>, %mul3A_58, %reduce_sum3A [1] : vector<2048x64xf32> to vector<2048xf32>
    %broadcast_in_dim3A_60 = vector.shape_cast %reduce_sum3A_59 : vector<2048xf32> to vector<2048x1xf32>
    %get3A_61 = arith.constant 0 : index
    %get3A_62 = arith.constant 0 : index
    %get3A_63 = vector.load %arg11[%get3A_61, %get3A_62] : memref<1x1xf32, #tpu.memory_space<vmem>>, vector<1x1xf32>
    %add3A_64 = vector.broadcast %get3A_63 : vector<1x1xf32> to vector<2048x1xf32>
    %add3A_65 = arith.addf %broadcast_in_dim3A_60, %add3A_64 : vector<2048x1xf32>
    %logistic3A = arith.negf %add3A_65 : vector<2048x1xf32>
    %logistic3A_66 = math.exp %logistic3A : vector<2048x1xf32>
    %logistic3A_67 = arith.constant 1.000000e+00 : f32
    %logistic3A_68 = vector.broadcast %logistic3A_67 : f32 to vector<2048x1xf32>
    %logistic3A_69 = arith.addf %logistic3A_68, %logistic3A_66 : vector<2048x1xf32>
    %logistic3A_70 = arith.divf %logistic3A_68, %logistic3A_69 : vector<2048x1xf32>
    %swap3A = arith.constant 0 : index
    %swap3A_71 = arith.constant 0 : index
    %swap3A_72 = vector.load %arg12[%swap3A, %swap3A_71] : memref<2048x1xf32, #tpu.memory_space<vmem>>, vector<2048x1xf32>
    tpu.vector_store %arg12[%swap3A, %swap3A_71], %logistic3A_70 {strides = array<i32>} : memref<2048x1xf32, #tpu.memory_space<vmem>>, vector<2048x1xf32>,
    return
  }
  func.func @transform_0(%arg0: i32) -> (i32, i32) {
    %c0_i32 = arith.constant 0 : i32
    %c0_i32_0 = arith.constant 0 : i32
    return %arg0, %c0_i32 : i32, i32
  }
  func.func @transform_1(%arg0: i32) -> (i32, i32) {
    %c0_i32 = arith.constant 0 : i32
    %c0_i32_0 = arith.constant 0 : i32
    return %arg0, %c0_i32 : i32, i32
  }
  func.func @transform_2(%arg0: i32) -> (i32, i32) {
    %c0_i32 = arith.constant 0 : i32
    %c0_i32_0 = arith.constant 0 : i32
    return %arg0, %c0_i32 : i32, i32
  }
  func.func @transform_3(%arg0: i32) -> (i32, i32) {
    %c0_i32 = arith.constant 0 : i32
    %c0_i32_0 = arith.constant 0 : i32
    return %arg0, %c0_i32 : i32, i32
  }
  func.func @transform_4(%arg0: i32) -> (i32, i32) {
    %c0_i32 = arith.constant 0 : i32
    %c0_i32_0 = arith.constant 0 : i32
    %c0_i32_1 = arith.constant 0 : i32
    return %c0_i32, %c0_i32_0 : i32, i32
  }
  func.func @transform_5(%arg0: i32) -> (i32, i32) {
    %c0_i32 = arith.constant 0 : i32
    %c0_i32_0 = arith.constant 0 : i32
    %c0_i32_1 = arith.constant 0 : i32
    return %c0_i32, %c0_i32_0 : i32, i32
  }
  func.func @transform_6(%arg0: i32) -> (i32, i32) {
    %c0_i32 = arith.constant 0 : i32
    %c0_i32_0 = arith.constant 0 : i32
    %c0_i32_1 = arith.constant 0 : i32
    return %c0_i32, %c0_i32_0 : i32, i32
  }
  func.func @transform_7(%arg0: i32) -> (i32, i32) {
    %c0_i32 = arith.constant 0 : i32
    %c0_i32_0 = arith.constant 0 : i32
    %c0_i32_1 = arith.constant 0 : i32
    return %c0_i32, %c0_i32_0 : i32, i32
  }
  func.func @transform_8(%arg0: i32) -> (i32, i32) {
    %c0_i32 = arith.constant 0 : i32
    %c0_i32_0 = arith.constant 0 : i32
    %c0_i32_1 = arith.constant 0 : i32
    return %c0_i32, %c0_i32_0 : i32, i32
  }
  func.func @transform_9(%arg0: i32) -> (i32, i32) {
    %c0_i32 = arith.constant 0 : i32
    %c0_i32_0 = arith.constant 0 : i32
    %c0_i32_1 = arith.constant 0 : i32
    return %c0_i32, %c0_i32_0 : i32, i32
  }
  func.func @transform_10(%arg0: i32) -> (i32, i32) {
    %c0_i32 = arith.constant 0 : i32
    %c0_i32_0 = arith.constant 0 : i32
    %c0_i32_1 = arith.constant 0 : i32
    return %c0_i32, %c0_i32_0 : i32, i32
  }
  func.func @transform_11(%arg0: i32) -> (i32, i32) {
    %c0_i32 = arith.constant 0 : i32
    %c0_i32_0 = arith.constant 0 : i32
    return %arg0, %c0_i32 : i32, i32
  }
}

</mosaic_0001>

<sc_bundles>
// kernel: kernel.4.cloned.1.call-start
scs
__scs_entry_jumppad:
0x0: {  	(pc) =	sbr.rel $0x88, $3  }
0x1: {  	(tag) =	ssettag $0x0;
	lr =	simm.s32 $0x1  }
0x2: {  	[smem:$0x3F97] =	sst lr;
	_ =	strace $0xD0000000  }
0x3: {  	_ = 	snop  }
0x4: {  	_ = 	snop  }
0x5: {  	_ = 	snop  }
0x6: {  	_ = 	snop  }
0x7: {  	_ = 	snop  }
__scs_overlays_trampoline_lowered:
0x8: {  	[smem:$0x3FA6] =	sst s0  }
0x9: {  	[smem:$0x3FA7] =	sst s1  }
0xa: {  	[smem:$0x3FA8] =	sst s2  }
0xb: {  	[smem:$0x3FA9] =	sst s3  }
0xc: {  	[smem:$0x3FAA] =	sst s4  }
0xd: {  	[smem:$0x3FAB] =	sst s5  }
0xe: {  	[smem:$0x3FAC] =	sst s6  }
0xf: {  	[smem:$0x3FAD] =	sst s7  }
0x10: {  	[smem:$0x3FAE] =	sst s8  }
0x11: {  	[smem:$0x3FAF] =	sst s9;
	s0 =	simm.s32 @!p0 $0x0  }
0x12: {  	s1 =	sld [smem:$0x3F95];
	s0 =	simm.s32 @p0 $0x1  }
0x13: {  	[smem:$0x3FB0] =	sst s0;
	s0 =	simm.s32 @!p1 $0x0  }
0x14: {  	s2 =	sld [smem:$0x3F94];
	s0 =	simm.s32 @p1 $0x1  }
0x15: {  	[smem:$0x3FB1] =	sst s0;
	s0 =	simm.s32 @!p2 $0x0  }
0x16: {  	s3 =	sld [smem:$0x3FDB];
	s0 =	simm.s32 @p2 $0x1  }
0x17: {  	s4 =	simm.s32 $0x1BF5;
	[smem:$0x3FB3] =	sst s0  }
0x18: {  	s0 =	sld [smem:$0x3F96];
	_ =	swait.ge [sflag:s4], $0x0  }
0x19: {  	s7 =	sld [smem:$0x3F97]  }
0x1a: {  	s8 =	sadd.s32 $0xFFFFE003, lr  }
0x1b: {  	s9 =	sadd.s32 $0xFFFFFEF7, lr;
	s5 =	simm.s32 $0xFFFFFFFF;
	p2 =	slt.u32 s8, $0xFFFFF086  }
0x1c: {  	p1 =	slt.u32 s9, $0xF7A;
	s5 =	simm.s32 @!p2 $0x0  }
0x1d: {  	s5 =	simm.s32 @p1 $0x1;
	p0 =	seq.s32 s7, s2  }
0x1e: {  	s7 =	smul.u32 @!p0 $0xF7A, s2;
	p2 =	seq.s32 @!p0 s5, $0x0  }
0x1f: {  	s9 =	smul.u32 $0xF7A, s1;
	s8 =	simm.s32 @!p0 $0x1BF5;
	p2 =	por !p2, p0  }
0x20: {  	[sflag:s8] =	ssyncset.s32 @!p0 $0xFFFFF086;
	s6 =	sadd.s32 @!p0 s3, s7;
	s7 =	simm.s32 @!p0 $0x108  }
0x21: {  	s3 =	sadd.s32 s3, s9;
	s6 =	sadd.s32 @!p0 $0x88, s6;
	s7 =	simm.s32 @p2 $0x1082  }
0x22: {  	[simem:s7], [sflag:s8] =	dma.local @!p0 [hbm:s6], $0xF7A  }
0x23: {  	s9 =	sor.u32 $0xD0000000, s2;
	s6 =	simm.s32 $0x108;
	_ =	swait.ge @!p0 [sflag:s8], $0x0  }
0x24: {  	s3 =	sadd.s32 $0x88, s3;
	s6 =	simm.s32 @!p1 $0x1082;
	[sflag:s4] =	ssyncset.s32 $0xFFFFF086  }
0x25: {  	[simem:s6], [sflag:s4] =	dma.local [hbm:s3], $0xF7A  }
0x26: {  	[smem:$0x3F97] =	sst s1;
	(tag) =	ssettag s2;
	_ =	strace s9  }
0x27: {  	s1 =	sld [smem:$0x3FA7]  }
0x28: {  	s2 =	sld [smem:$0x3FA8]  }
0x29: {  	s4 =	sld [smem:$0x3FAA]  }
0x2a: {  	p0 =	seq.s32 s5, $0x0;
	s5 =	sld [smem:$0x3FAB]  }
0x2b: {  	s6 =	sld [smem:$0x3FAC]  }
0x2c: {  	s7 =	sld [smem:$0x3FAD]  }
0x2d: {  	s3 =	simm.s32 $0x108;
	s8 =	sld [smem:$0x3FAE]  }
0x2e: {  	s3 =	simm.s32 @!p0 $0x1082;
	s9 =	sld [smem:$0x3FAF]  }
0x2f: {  	lr =	sadd.s32 s0, s3;
	s0 =	sld [smem:$0x3FA6]  }
0x30: {  	s3 =	sld [smem:$0x3FA9]  }
0x31: {  	[smem:$0x3FB2] =	sst s10  }
0x32: {  	s10 =	sld [smem:$0x3FB0];
	_ =	sdelay $0x3  }
0x33: {  	p0 =	seq.s32 s10, $0x1;
	s10 =	sld [smem:$0x3FB2];
	_ =	sdelay $0x3  }
0x34: {  	[smem:$0x3FB2] =	sst s10  }
0x35: {  	s10 =	sld [smem:$0x3FB1];
	_ =	sdelay $0x3  }
0x36: {  	p1 =	seq.s32 s10, $0x1;
	s10 =	sld [smem:$0x3FB2];
	_ =	sdelay $0x3  }
0x37: {  	[smem:$0x3FB2] =	sst s10  }
0x38: {  	s10 =	sld [smem:$0x3FB3]  }
0x39: {  	_ = 	snop;
	(pc) =	sbr.ind lr, $3  }
0x3a: {  	_ = 	snop  }
0x3b: {  	_ = 	snop  }
0x3c: {  	p2 =	seq.s32 s10, $0x1;
	s10 =	sld [smem:$0x3FB2]  }
0x3d: {  	_ =	shalt  }
0x3e: {  	_ =	shalt  }
0x3f: {  	_ =	shalt  }
0x40: {  	_ =	shalt  }
0x41: {  	_ =	shalt  }
0x42: {  	_ =	shalt  }
0x43: {  	_ =	shalt  }
0x44: {  	_ =	shalt  }
0x45: {  	_ =	shalt  }
0x46: {  	_ =	shalt  }
0x47: {  	_ =	shalt  }
0x48: {  	_ =	shalt  }
0x49: {  	_ =	shalt  }
0x4a: {  	_ =	shalt  }
0x4b: {  	_ =	shalt  }
0x4c: {  	_ =	shalt  }
0x4d: {  	_ =	shalt  }
0x4e: {  	_ =	shalt  }
0x4f: {  	_ =	shalt  }
0x50: {  	_ =	shalt  }
0x51: {  	_ =	shalt  }
0x52: {  	_ =	shalt  }
0x53: {  	_ =	shalt  }
0x54: {  	_ =	shalt  }
0x55: {  	_ =	shalt  }
0x56: {  	_ =	shalt  }
0x57: {  	_ =	shalt  }
0x58: {  	_ =	shalt  }
0x59: {  	_ =	shalt  }
0x5a: {  	_ =	shalt  }
0x5b: {  	_ =	shalt  }
0x5c: {  	_ =	shalt  }
0x5d: {  	_ =	shalt  }
0x5e: {  	_ =	shalt  }
0x5f: {  	_ =	shalt  }
0x60: {  	_ =	shalt  }
0x61: {  	_ =	shalt  }
0x62: {  	_ =	shalt  }
0x63: {  	_ =	shalt  }
0x64: {  	_ =	shalt  }
0x65: {  	_ =	shalt  }
0x66: {  	_ =	shalt  }
0x67: {  	_ =	shalt  }
0x68: {  	_ =	shalt  }
0x69: {  	_ =	shalt  }
0x6a: {  	_ =	shalt  }
0x6b: {  	_ =	shalt  }
0x6c: {  	_ =	shalt  }
0x6d: {  	_ =	shalt  }
0x6e: {  	_ =	shalt  }
0x6f: {  	_ =	shalt  }
0x70: {  	_ =	shalt  }
0x71: {  	_ =	shalt  }
0x72: {  	_ =	shalt  }
0x73: {  	_ =	shalt  }
0x74: {  	_ =	shalt  }
0x75: {  	_ =	shalt  }
0x76: {  	_ =	shalt  }
0x77: {  	_ =	shalt  }
0x78: {  	_ =	shalt  }
0x79: {  	_ =	shalt  }
0x7a: {  	_ =	shalt  }
0x7b: {  	_ =	shalt  }
0x7c: {  	_ =	shalt  }
0x7d: {  	_ =	shalt  }
0x7e: {  	_ =	shalt  }
0x7f: {  	_ =	shalt  }
0x80: {  	_ =	shalt  }
0x81: {  	_ =	shalt  }
0x82: {  	_ =	shalt  }
0x83: {  	_ =	shalt  }
0x84: {  	_ =	shalt  }
0x85: {  	_ =	shalt  }
0x86: {  	_ =	shalt  }
0x87: {  	_ =	shalt  }
.Lfunc_end0:
.L_simem_size_0:
called_computation_lowered:
.L_overlay_start_0:
0x88: {  	s2 =	sld [smem:$0x3FD9]  }
0x89: {  	s3 =	sld [smem:$0x3FFE];
	_ =	sdelay $0x1  }
0x8a: {  	s1 =	srdreg.scid  }
0x8b: {  	s0 =	sand.u32 $0x1, s1  }
0x8c: {  	s16 =	sshll.u32 s0, $0xA;
	s2 =	sadd.s32 s3, s2  }
0x8d: {  	s2 =	sadd.s32 s2, s16  }
0x8e: {  	[smem:$0x3FBE] =	sst s2  }
0x8f: {  	_ = 	snop  }
0x90: {  	(tm) =	ssettm $0x1  }
0x91: {  	s17 =	sld [smem:$0x3FFB];
	_ =	sdelay $0x3  }
0x92: {  	_ =	strace s17  }
0x93: {  	s2 =	sld [smem:$0x3FFC];
	_ =	sdelay $0x3  }
0x94: {  	_ =	strace s2  }
0x95: {  	s2 =	sld [smem:$0x3FFD];
	_ =	sdelay $0x3  }
0x96: {  	_ =	strace s2  }
0x97: {  	_ =	strace $0x8FFFFFFF  }
0x98: {  	s18 =	sld [smem:$0x3FDB];
	_ =	sdelay $0x1  }
0x99: {  	s19 =	simm.s32 $_scs_section_size  }
0x9a: {  	s4 =	simm.s32 $_size__tile_overlayer_lowered;
	s5 =	simm.s32 $_tile_overlayer_lowered  }
0x9b: {  	s22 =	simm.s32 $0x1BFF;
	s21 =	sshll.u32 s5, $0x1;
	s2 =	sadd.s32 s19, s18  }
0x9c: {  	s6 =	simm.s32 $0x0;
	s20 =	sshll.u32 s4, $0x1;
	s4 =	sadd.s32 s21, s2  }
0x9d: {  	[timem:s6], [sflag:s22] =	dma.local [hbm:s4], s20  }
0x9e: {  	_ =	swait.ge [sflag:s22], s20  }
0x9f: {  	s3 =	ssub.s32 $0x0, s20;
	[sflag:s22] =	ssyncset.done $0x0  }
0xa0: {  	[sflag:s22] =	ssyncadd.s32 s3;
	_ =	sdelay $0x1  }
0xa1: {  	s23 =	simm.s32 $0x1B8B  }
0xa2: {  	_ =	swait.ge [sflag:s23], $0x1  }
0xa3: {  	[sflag:s23] =	ssyncset.done $0x0  }
0xa4: {  	s25 =	simm.s32 $0x1B8E;
	s24 =	sld [smem:$0x3FFE];
	[sflag:s23] =	ssyncadd.s32 $0xFFFFFFFF  }
0xa5: {  	s26 =	simm.s32 $execute0_lowered;
	[smem:$0x3FD2] =	sst s25  }
0xa6: {  	s4 =	sshll.u32 s26, $0x1;
	_ =	strace $0x80000046;
	[dreg:$0x1] =	wrdreg $0xFFFFFFFF  }
0xa7: {  	s28 =	simm.s32 $_size_execute0_lowered;
	s2 =	sadd.s32 s2, s4;
	[dreg:$0x0] =	wrdreg $0x0  }
0xa8: {  	s4 =	sshll.u32 s28, $0x1;
	[dreg:$0x2] =	wrdreg s2  }
0xa9: {  	[dreg:$0x3] =	wrdreg s4  }
0xaa: {  	[dreg:$0x4] =	wrdreg $0xC0  }
0xab: {  	_ =	task [dreg:s6], $0x5FFFF  }
0xac: {  	[dreg:$0x1] =	wrdreg $0xFFFFFFFF  }
0xad: {  	[dreg:$0x0] =	wrdreg $0x60  }
0xae: {  	[dreg:$0x2] =	wrdreg s24  }
0xaf: {  	[dreg:$0x3] =	wrdreg $0x9  }
0xb0: {  	_ =	task.clear_ibuf [dreg:s6], $0x4FFFF;
	_ =	strace $0x90000046  }
0xb1: {  	s29 =	simm.s32 $0x9;
	_ =	strace $0x80000048  }
0xb2: {  	_ =	swait.ge [sflag:s29], $0x1  }
0xb3: {  	[sflag:s29] =	ssyncadd.s32 $0xFFFFFFFF  }
0xb4: {  	_ =	strace $0x90000048  }
0xb5: {  	_ =	sfence  }
0xb6: {  	s30 =	sld [smem:$0x0];
	_ =	sdelay $0x2  }
0xb7: {  	s31 =	sshll.u32 s1, $0xD;
	s1 =	sshrl.u32 s1, $0x2  }
0xb8: {  	s3 =	sand.u32 $0x4000, s31;
	s1 =	sadd.s32 s1, s30  }
0xb9: {  	s0 =	sor.u32 s3, s0;
	s1 =	sshll.u32 s1, $0x11  }
0xba: {  	s0 =	sor.u32 s1, s0  }
0xbb: {  	s0 =	sadd.s32 $0x8F2B, s0  }
0xbc: {  	[sflag:s0] =	ssyncadd.remote.s32 $0x1  }
0xbd: {  	_ =	sfence.sel $0xFFFF  }
0xbe: {  	[dreg:$0x0] =	wrdreg $0xFFFFFFFF;
	(pc) =	sbr.abs _section_cstart, $3  }
0xbf: {  	[dreg:$0x1] =	wrdreg $0xFFFFFFFF  }
0xc0: {  	_ =	task.clear_ibuf [dreg:s6], $0x2FFFF;
	_ =	strace $0x9FFFFFFF  }
0xc1: {  	(tm) =	ssettm $0x7FFFFFFF  }
tec
execute0_lowered:
.L_overlay_start_1:
0x0: {  	(tag) =	ssettag $0x1  }
0x1: {  	s1 =	srdreg.scid  }
0x2: {  	s0 =	stileid.u32;
	s18 =	sand.u32 $0x1, s1  }
0x3: {  	s30 =	sshll.u32 s0, $0xA;
	s2 =	sshll.u32 s18, $0x9  }
0x4: {  	s17 =	rddreg [dreg:$0x0];
	s12 =	sor.u32 s2, s30  }
0x5: {  	s1 =	rddreg [dreg:$0x1];
	s2 =	simm.s32 $0x0;
	s3 =	sshrl.u32 s12, $0x3  }
0x6: {  	[smem:$0x7FF] =	sst s2;
	s5 =	sadd.s32 s3, s17  }
0x7: {  	_ =	strace $0x80000047;
	s3 =	simm.s32 $0x3;
	s4 =	sadd.s32 $0x2E00, s5  }
0x8: {  	[tilespmem:s2], [sflag:$0x3] =	stream.linear.gather [hbm4b:s4+s2], $0x200, $0x38;
	[tilespmem:$0x10400] =	vst v63  }
0x9: {  	_ =	swait.ge [sflag:s3], $0x200  }
0xa: {  	[sflag:s3] =	ssyncset.done $0x0  }
0xb: {  	s6 =	simm.s32 $0x200;
	s5 =	sadd.s32 $0x2600, s5;
	[sflag:s3] =	ssyncadd.s32 $0xFFFFFE00  }
0xc: {  	[tilespmem:s6], [sflag:$0x3] =	stream.linear.gather [hbm4b:s5+s2], $0x200, $0x38;
	[tilespmem:$0x10400] =	vst v63  }
0xd: {  	_ =	swait.ge [sflag:s3], $0x200  }
0xe: {  	s8 =	simm.s32 $0x100;
	[sflag:s3] =	ssyncset.done $0x0  }
0xf: {  	s9 =	simm.s32 $0x400;
	s7 =	sadd.s32 $0xF44200, s17;
	[sflag:s3] =	ssyncadd.s32 $0xFFFFFE00  }
0x10: {  	[tilespmem:s9], [sflag:$0x1] =	stream.indirect.gather [hbm4b:s7+s8], $0x80, s2, s8, $0xb8;
	[tilespmem:$0x10400] =	vst v63  }
0x11: {  	s10 =	simm.s32 $0x8400;
	s11 =	simm.s32 $0x1  }
0x12: {  	[tilespmem:s10], [sflag:$0x2] =	stream.indirect.gather [hbm4b:s7+s8], $0x80, s8, s8, $0xb8;
	[tilespmem:$0x10400] =	vst v63  }
0x13: {  	_ =	swait.ge [sflag:s11], $0x8000  }
0x14: {  	s15 =	sadd.s32 $0x3600, s17;
	s19 =	sshll.u32 s12, $0x4;
	[sflag:s11] =	ssyncset.done $0x0  }
0x15: {  	s12 =	sadd.s32 s15, s19;
	[sflag:s11] =	ssyncadd.s32 $0xFFFF8000  }
0x16: {  	[hbm4b:s12+s2] =	stream.linear.scatter [tilespmem:s9], [sflag:$0x3], $0x8000, $0x38;
	[tilespmem:$0x10400] =	vst v63  }
0x17: {  	_ =	swait.ge [sflag:s3], $0x8000  }
0x18: {  	[sflag:s3] =	ssyncset.done $0x0  }
0x19: {  	s14 =	simm.s32 $0x2;
	s13 =	sadd.s32 $0x188800, s17;
	[sflag:s3] =	ssyncadd.s32 $0xFFFF8000  }
0x1a: {  	[tilespmem:s9], [sflag:$0x1] =	stream.indirect.gather [hbm4b:s13+s8], $0x80, s6, s8, $0xb8;
	[tilespmem:$0x10400] =	vst v63  }
0x1b: {  	_ =	swait.ge [sflag:s14], $0x8000  }
0x1c: {  	s20 =	sor.u32 $0x1000, s19;
	[sflag:s14] =	ssyncset.done $0x0  }
0x1d: {  	s15 =	sadd.s32 s15, s20;
	[sflag:s14] =	ssyncadd.s32 $0xFFFF8000  }
0x1e: {  	[hbm4b:s15+s2] =	stream.linear.scatter [tilespmem:s10], [sflag:$0x3], $0x8000, $0x38;
	[tilespmem:$0x10400] =	vst v63  }
0x1f: {  	_ =	swait.ge [sflag:s3], $0x8000  }
0x20: {  	[sflag:s3] =	ssyncset.done $0x0  }
0x21: {  	s16 =	simm.s32 $0x300;
	[sflag:s3] =	ssyncadd.s32 $0xFFFF8000  }
0x22: {  	[tilespmem:s10], [sflag:$0x2] =	stream.indirect.gather [hbm4b:s13+s8], $0x80, s16, s8, $0xb8;
	[tilespmem:$0x10400] =	vst v63  }
0x23: {  	_ =	swait.ge [sflag:s11], $0x8000  }
0x24: {  	s21 =	sadd.s32 $0x43600, s17;
	[sflag:s11] =	ssyncset.done $0x0  }
0x25: {  	s18 =	ssub.s32 $0x2, s18;
	s17 =	sadd.s32 s21, s19;
	[sflag:s11] =	ssyncadd.s32 $0xFFFF8000  }
0x26: {  	[hbm4b:s17+s2] =	stream.linear.scatter [tilespmem:s9], [sflag:$0x3], $0x8000, $0x38;
	[tilespmem:$0x10400] =	vst v63  }
0x27: {  	s31 =	sshrl.u32 s18, $0x1;
	_ =	swait.ge [sflag:s3], $0x8000  }
0x28: {  	s19 =	ssub.s32 s18, s31;
	[sflag:s3] =	ssyncset.done $0x0  }
0x29: {  	s19 =	smax.u32 s19, $0x1;
	[sflag:s3] =	ssyncadd.s32 $0xFFFF8000  }
0x2a: {  	p0 =	sne.s32 s19, $0x1;
	_ =	swait.ge [sflag:s14], $0x8000  }
.Ltmp0:
0x2b: {  	[sflag:s14] =	ssyncset.done $0x0;
	(pc) =	sbr.rel @!p0 .LBB2_2-.Ltmp0, $4  }
0x2c: {  	s18 =	sadd.s32 s21, s20;
	[sflag:s14] =	ssyncadd.s32 $0xFFFF8000  }
0x2d: {  	[hbm4b:s18+s2] =	stream.linear.scatter [tilespmem:s10], [sflag:$0x3], $0x8000, $0x38;
	[tilespmem:$0x10400] =	vst v63  }
0x2e: {  	_ =	swait.ge [sflag:s3], $0x8000  }
0x2f: {  	s19 =	sadd.s32 $0xFFFFFFFF, s19;
	[sflag:s3] =	ssyncset.done $0x0  }
.LBB2_1:
0x30: {  	p0 =	sne.s32 s19, $0x1;
	s19 =	sadd.s32 $0xFFFFFFFF, s19;
	[sflag:s3] =	ssyncadd.s32 $0xFFFF8000  }
0x31: {  	[tilespmem:s2], [sflag:$0x3] =	stream.linear.gather [hbm4b:s4+s2], $0x200, $0x38;
	[tilespmem:$0x10400] =	vst v63  }
0x32: {  	_ =	swait.ge [sflag:s3], $0x200  }
0x33: {  	[sflag:s3] =	ssyncset.done $0x0  }
0x34: {  	[sflag:s3] =	ssyncadd.s32 $0xFFFFFE00  }
0x35: {  	[tilespmem:s6], [sflag:$0x3] =	stream.linear.gather [hbm4b:s5+s2], $0x200, $0x38;
	[tilespmem:$0x10400] =	vst v63  }
0x36: {  	_ =	swait.ge [sflag:s3], $0x200  }
0x37: {  	[sflag:s3] =	ssyncset.done $0x0  }
0x38: {  	[sflag:s3] =	ssyncadd.s32 $0xFFFFFE00  }
0x39: {  	[tilespmem:s9], [sflag:$0x1] =	stream.indirect.gather [hbm4b:s7+s8], $0x80, s2, s8, $0xb8;
	[tilespmem:$0x10400] =	vst v63  }
0x3a: {  	_ = 	snop  }
0x3b: {  	[tilespmem:s10], [sflag:$0x2] =	stream.indirect.gather [hbm4b:s7+s8], $0x80, s8, s8, $0xb8;
	[tilespmem:$0x10400] =	vst v63  }
0x3c: {  	_ =	swait.ge [sflag:s11], $0x8000  }
0x3d: {  	[sflag:s11] =	ssyncset.done $0x0  }
0x3e: {  	[sflag:s11] =	ssyncadd.s32 $0xFFFF8000  }
0x3f: {  	[hbm4b:s12+s2] =	stream.linear.scatter [tilespmem:s9], [sflag:$0x3], $0x8000, $0x38;
	[tilespmem:$0x10400] =	vst v63  }
0x40: {  	_ =	swait.ge [sflag:s3], $0x8000  }
0x41: {  	[sflag:s3] =	ssyncset.done $0x0  }
0x42: {  	[sflag:s3] =	ssyncadd.s32 $0xFFFF8000  }
0x43: {  	[tilespmem:s9], [sflag:$0x1] =	stream.indirect.gather [hbm4b:s13+s8], $0x80, s6, s8, $0xb8;
	[tilespmem:$0x10400] =	vst v63  }
0x44: {  	_ =	swait.ge [sflag:s14], $0x8000  }
0x45: {  	[sflag:s14] =	ssyncset.done $0x0  }
0x46: {  	[sflag:s14] =	ssyncadd.s32 $0xFFFF8000  }
0x47: {  	[hbm4b:s15+s2] =	stream.linear.scatter [tilespmem:s10], [sflag:$0x3], $0x8000, $0x38;
	[tilespmem:$0x10400] =	vst v63  }
0x48: {  	_ =	swait.ge [sflag:s3], $0x8000  }
0x49: {  	[sflag:s3] =	ssyncset.done $0x0  }
0x4a: {  	[sflag:s3] =	ssyncadd.s32 $0xFFFF8000  }
0x4b: {  	[tilespmem:s10], [sflag:$0x2] =	stream.indirect.gather [hbm4b:s13+s8], $0x80, s16, s8, $0xb8;
	[tilespmem:$0x10400] =	vst v63  }
0x4c: {  	_ =	swait.ge [sflag:s11], $0x8000  }
0x4d: {  	[sflag:s11] =	ssyncset.done $0x0  }
0x4e: {  	[sflag:s11] =	ssyncadd.s32 $0xFFFF8000  }
0x4f: {  	[hbm4b:s17+s2] =	stream.linear.scatter [tilespmem:s9], [sflag:$0x3], $0x8000, $0x38;
	[tilespmem:$0x10400] =	vst v63  }
0x50: {  	_ =	swait.ge [sflag:s3], $0x8000  }
0x51: {  	[sflag:s3] =	ssyncset.done $0x0  }
0x52: {  	[sflag:s3] =	ssyncadd.s32 $0xFFFF8000  }
0x53: {  	_ =	swait.ge [sflag:s14], $0x8000  }
.Ltmp1:
0x54: {  	[sflag:s14] =	ssyncset.done $0x0;
	(pc) =	sbr.rel @p0 .LBB2_1-.Ltmp1, $4  }
0x55: {  	[sflag:s14] =	ssyncadd.s32 $0xFFFF8000  }
0x56: {  	[hbm4b:s18+s2] =	stream.linear.scatter [tilespmem:s10], [sflag:$0x3], $0x8000, $0x38;
	[tilespmem:$0x10400] =	vst v63  }
0x57: {  	_ =	swait.ge [sflag:s3], $0x8000  }
0x58: {  	[sflag:s3] =	ssyncset.done $0x0  }
.LBB2_2:
0x59: {  	[sflag:s3] =	ssyncadd.s32 $0xFFFF8000  }
0x5a: {  	_ =	sfence.sel $0x180000  }
0x5b: {  	[bflag:$0x0] =	sbarrier.arrive $0xFFFF  }
0x5c: {  	p0 =	sne.s32 s0, $0x0;
	_ =	strace $0x90000047  }
0x5d: {  	s0 =	sadd.s32 @!p0 $0x100000, s1;
	[bflag:$0x2] =	sbarrier.arrive $0xFFFF  }
0x5e: {  	[sflag:s0] =	ssyncadd.tile.s32 @!p0 $0x1;
	_ =	shalt  }
.Lfunc_end2:
_tile_overlayer_lowered:
.L_overlay_start_2:
0x5f: {  	(tag) =	ssettag $0x2  }
0x60: {  	s0 =	rddreg [dreg:$0x0];
	s2 =	stileid.u32  }
0x61: {  	s1 =	rddreg [dreg:$0x1];
	p0 =	sne.s32 s2, $0x0  }
0x62: {  	s3 =	rddreg [dreg:$0x2];
	[bflag:$0x3] =	sbarrier.arrive $0xFFFF;
	s2 =	simm.s32 @!p0 $0x1C03  }
0x63: {  	[timem:s3], [sflag:s2] =	dma.local @!p0 [hbm:s0], s1  }
0x64: {  	s0 =	simm.s32 @!p0 $0x3  }
0x65: {  	_ =	swait.ge @!p0 [sflag:s0], s1  }
0x66: {  	s1 =	ssub.s32 @!p0 $0x0, s1;
	[sflag:s0] =	ssyncset.done @!p0 $0x0  }
0x67: {  	[sflag:s0] =	ssyncadd.s32 @!p0 s1  }
0x68: {  	[bflag:$0x3] =	sbarrier.arrive $0xFFFF  }
0x69: {  	_ =	shalt  }

</sc_bundles>
